<compile_context>
chip_gen: v7x
topology: tpu7x:2x2x1
jax: 0.10.2.dev20260603
libtpu: 0.0.44.dev20260713+nightly
codegen_flags: <defaults>
</compile_context>

<pallas_src>
import functools

import jax
import jax.numpy as jnp
from jax import lax
from jax.experimental import pallas as pl
from jax.experimental.pallas import tpu as pltpu
from jax.experimental.pallas import tpu_sc as plsc

NEG_SLOPE = 0.01
LANES = 16


def _seg_sum_edges(edge_index, en, nn, e_total, n_nodes, num_workers):
    epw = e_total // num_workers
    nch = epw // LANES
    ALIGN = 512
    win = -(-(epw + ALIGN) // ALIGN) * ALIGN
    max_start = e_total - win
    mesh = plsc.VectorSubcoreMesh(core_axis_name="c", subcore_axis_name="s")

    @functools.partial(
        pl.kernel,
        mesh=mesh,
        out_type=jax.ShapeDtypeStruct((num_workers, n_nodes), jnp.float32),
        compiler_params=pltpu.CompilerParams(needs_layout_passes=False),
        scratch_types=[
            pltpu.VMEM((2, win), jnp.int32),
            pltpu.VMEM((epw,), jnp.float32),
            pltpu.VMEM((n_nodes,), jnp.float32),
            pltpu.VMEM((n_nodes,), jnp.float32),
            pltpu.SemaphoreType.DMA,
        ],
    )
    def k(ei_hbm, en_hbm, nn_hbm, out_hbm, ei_v, en_v, nn_v, s_v, sem):
        c = lax.axis_index("c")
        s = lax.axis_index("s")
        wid = s * 2 + c
        base = wid * epw
        start = jnp.minimum((base // ALIGN) * ALIGN, max_start)
        off = base - start
        cp0 = pltpu.async_copy(ei_hbm.at[:, pl.ds(start, win)], ei_v, sem)
        cp2 = pltpu.async_copy(en_hbm.at[pl.ds(base, epw)], en_v, sem)
        cp3 = pltpu.async_copy(nn_hbm, nn_v, sem)

        @plsc.parallel_loop(0, n_nodes // LANES, unroll=8)
        def _(i):
            s_v[pl.ds(i * LANES, LANES)] = jnp.zeros((LANES,), jnp.float32)

        cp0.wait()
        cp2.wait()
        cp3.wait()

        @plsc.parallel_loop(0, nch, unroll=16)
        def _(i):
            sl = pl.ds(i * LANES, LANES)
            wsl = pl.ds(off + i * LANES, LANES)
            w = plsc.load_gather(nn_v, [ei_v[1, wsl]]) * en_v[sl]
            plsc.addupdate_scatter(s_v, [ei_v[0, wsl]], w)

        pltpu.sync_copy(s_v, out_hbm.at[wid])

    return k(edge_index, en, nn)


def _dense_readout(s_part, nn_row, x, w, b, n_nodes):

    def body(sp_ref, nn_ref, x_ref, w_ref, b_ref, o_ref):
        s2 = jnp.sum(sp_ref[...], axis=0, keepdims=True) * nn_ref[...]
        r = jnp.dot(s2, x_ref[...], preferred_element_type=jnp.float32)
        z = lax.dot_general(r * (1.0 / n_nodes), w_ref[...],
                            (((1,), (1,)), ((), ())),
                            preferred_element_type=jnp.float32) + b_ref[...][None, :]
        o_ref[...] = jnp.where(z >= 0, z, NEG_SLOPE * z)

    return pl.pallas_call(
        body,
        out_shape=jax.ShapeDtypeStruct((1, x.shape[1]), jnp.float32),
    )(s_part, nn_row, x, w, b)


def kernel(x, edge_index, node_norm, edge_norm, W, b):
    n_nodes = x.shape[0]
    e_total = edge_index.shape[1]
    s_part = _seg_sum_edges(edge_index, edge_norm, node_norm,
                            e_total, n_nodes, 32)
    return _dense_readout(s_part, node_norm, x, W, b, n_nodes)

# --- scband reference (transcript-rebuilt; emitter-appended) ---
"""Pipeline reference for scband-hypergraph-layer-3650722201951 (READ-ONLY COPY).

The authoritative reference and input builder live on the scoring server;
editing this copy changes nothing except your own understanding.
"""

import jax, jax.numpy as jnp
import numpy as np

N = 10000
E = 320000
D = 128
NEG_SLOPE = 0.01  # nn.LeakyReLU default


def setup_inputs(seed: int = 0) -> dict:
    key = jax.random.key(seed)
    k1, k2, k3, k4, k5, k6 = jax.random.split(key, 6)
    x = jax.random.normal(k1, (N, D), dtype=jnp.float32)
    edge_index = jax.random.randint(k2, (2, E), 0, N, dtype=jnp.int32)
    node_norm = jax.random.uniform(k3, (N,), dtype=jnp.float32)
    edge_norm = jax.random.uniform(k4, (E,), dtype=jnp.float32)
    # nn.Linear(in_dim=D, out_dim=D) parameters
    W = jax.random.normal(k5, (D, D), dtype=jnp.float32) * (1.0 / np.sqrt(D))
    b = jax.random.normal(k6, (D,), dtype=jnp.float32) * 0.01
    return {"x": x, "edge_index": edge_index, "node_norm": node_norm,
            "edge_norm": edge_norm, "W": W, "b": b}


def reference(x, edge_index, node_norm, edge_norm, W, b):
    src = edge_index[0]
    dst = edge_index[1]
    # message: m = x[src] * (norm[src] * norm[dst] * edge_norm)
    norm = node_norm[src] * node_norm[dst] * edge_norm  # [E]
    m = x[src] * norm[:, None]                          # [E, D]
    # update_all with sum reducer -> scatter-add into dst nodes
    h = jax.ops.segment_sum(m, dst, num_segments=N)     # [N, D]
    # dgl.mean_nodes over a single graph -> [1, D]
    readout = jnp.mean(h, axis=0, keepdims=True)
    z = readout @ W.T + b                               # [1, D]
    return jnp.where(z >= 0, z, NEG_SLOPE * z)

if __name__ == "__main__":
    import jax
    _d = setup_inputs()
    print(jax.jit(kernel)(*tuple(_d.values())))

</pallas_src>

<mosaic_0001>
#map = affine_map<(d0, d1) -> (0, 0)>
#map1 = affine_map<(d0, d1) -> (0)>
module attributes {stable_mosaic.version = 14 : i64} {
  func.func @k(%arg0: i32, %arg1: i32, %arg2: memref<2x320000xi32, #tpu.memory_space<hbm>>, %arg3: memref<320000xf32, #tpu.memory_space<hbm>>, %arg4: memref<10000xf32, #tpu.memory_space<hbm>>, %arg5: memref<32x10000xf32, #tpu.memory_space<hbm>>, %arg6: memref<2x10752xi32, #tpu.memory_space<vmem>>, %arg7: memref<10000xf32, #tpu.memory_space<vmem>>, %arg8: memref<10000xf32, #tpu.memory_space<vmem>>, %arg9: memref<10000xf32, #tpu.memory_space<vmem>>, %arg10: memref<!tpu.dma_semaphore, #tpu.memory_space<semaphore_mem>>) attributes {dimension_semantics = [#tpu.dimension_semantics<core_parallel>, #tpu.dimension_semantics<subcore_parallel>], iteration_bounds = array<i64: 2, 16>, scalar_prefetch = 0 : i64, scratch_operands = 5 : i64, tpu.core_type = #tpu.core_type<sc_vector_subcore>, window_params = [{transform_indices = #map}, {transform_indices = #map1}, {transform_indices = #map1}, {transform_indices = #map}]} {
    %mul3A = arith.constant 2 : i32
    %mul3A_0 = arith.muli %arg1, %mul3A : i32
    %add3A = arith.addi %mul3A_0, %arg0 : i32
    %mul3A_1 = arith.constant 10000 : i32
    %mul3A_2 = arith.muli %add3A, %mul3A_1 : i32
    %jit3A = arith.constant 512 : i32
    %div3A = arith.divsi %mul3A_2, %jit3A : i32
    %sign3A = arith.constant 0 : i32
    %sign3A_3 = arith.cmpi sgt, %mul3A_2, %sign3A : i32
    %sign3A_4 = arith.extui %sign3A_3 : i1 to i32
    %sign3A_5 = arith.constant 0 : i32
    %sign3A_6 = arith.cmpi slt, %mul3A_2, %sign3A_5 : i32
    %sign3A_7 = arith.extui %sign3A_6 : i1 to i32
    %sign3A_8 = arith.subi %sign3A_4, %sign3A_7 : i32
    %sign3A_9 = arith.constant 0 : i32
    %sign3A_10 = arith.cmpi sgt, %jit3A, %sign3A_9 : i32
    %sign3A_11 = arith.extui %sign3A_10 : i1 to i32
    %sign3A_12 = arith.constant 0 : i32
    %sign3A_13 = arith.cmpi slt, %jit3A, %sign3A_12 : i32
    %sign3A_14 = arith.extui %sign3A_13 : i1 to i32
    %sign3A_15 = arith.subi %sign3A_11, %sign3A_14 : i32
    %ne3A = arith.cmpi ne, %sign3A_8, %sign3A_15 : i32
    %rem3A = arith.remsi %mul3A_2, %jit3A : i32
    %ne3A_16 = arith.constant 0 : i32
    %ne3A_17 = arith.cmpi ne, %rem3A, %ne3A_16 : i32
    %and3A = arith.andi %ne3A, %ne3A_17 : i1
    %sub3A = arith.constant 1 : i32
    %sub3A_18 = arith.subi %div3A, %sub3A : i32
    %select_n3A = arith.select %and3A, %sub3A_18, %div3A : i32
    %mul3A_19 = arith.constant 512 : i32
    %mul3A_20 = arith.muli %select_n3A, %mul3A_19 : i32
    %min3A = arith.constant 309248 : i32
    %min3A_21 = arith.minsi %mul3A_20, %min3A : i32
    %sub3A_22 = arith.subi %mul3A_2, %min3A_21 : i32
    %dma_start3A = arith.constant 0 : i32
    %dma_start3A_23 = tpu.memref_slice %arg2[%dma_start3A, %min3A_21] : memref<2x320000xi32, #tpu.memory_space<hbm>> -> memref<2x10752xi32, #tpu.memory_space<hbm>>
    %dma_start3A_24 = arith.constant 0 : i32
    %dma_start3A_25 = tpu.memref_slice %arg2[%dma_start3A_24, %min3A_21] : memref<2x320000xi32, #tpu.memory_space<hbm>> -> memref<2x10752xi32, #tpu.memory_space<hbm>>
    tpu.enqueue_dma source(%dma_start3A_25 : memref<2x10752xi32, #tpu.memory_space<hbm>>) target(%arg6 : memref<2x10752xi32, #tpu.memory_space<vmem>>) target_semaphore(%arg10 : memref<!tpu.dma_semaphore, #tpu.memory_space<semaphore_mem>>)
    %dma_start3A_26 = tpu.memref_slice %arg3[%mul3A_2] : memref<320000xf32, #tpu.memory_space<hbm>> -> memref<10000xf32, #tpu.memory_space<hbm>>
    %dma_start3A_27 = tpu.memref_slice %arg3[%mul3A_2] : memref<320000xf32, #tpu.memory_space<hbm>> -> memref<10000xf32, #tpu.memory_space<hbm>>
    tpu.enqueue_dma source(%dma_start3A_27 : memref<10000xf32, #tpu.memory_space<hbm>>) target(%arg7 : memref<10000xf32, #tpu.memory_space<vmem>>) target_semaphore(%arg10 : memref<!tpu.dma_semaphore, #tpu.memory_space<semaphore_mem>>)
    tpu.enqueue_dma source(%arg4 : memref<10000xf32, #tpu.memory_space<hbm>>) target(%arg8 : memref<10000xf32, #tpu.memory_space<vmem>>) target_semaphore(%arg10 : memref<!tpu.dma_semaphore, #tpu.memory_space<semaphore_mem>>)
    %parallel_loop3A = arith.constant 0 : i32
    %parallel_loop3A_28 = arith.constant 625 : i32
    %parallel_loop3A_29 = arith.constant 1 : i32
    scf.for %parallel_loop3A_38 = %parallel_loop3A to %parallel_loop3A_28 step %parallel_loop3A_29  : i32 {
      %parallel_loop3A_39 = arith.constant 0.000000e+00 : f32
      %parallel_loop3A_40 = vector.broadcast %parallel_loop3A_39 : f32 to vector<16xf32>
      %parallel_loop3A_41 = arith.constant 16 : i32
      %parallel_loop3A_42 = arith.muli %parallel_loop3A_38, %parallel_loop3A_41 : i32
      %parallel_loop3A_43 = arith.index_cast %parallel_loop3A_42 : i32 to index
      %parallel_loop3A_44 = tpu.vector_load %arg9[%parallel_loop3A_43] {strides = array<i32>} : memref<10000xf32, #tpu.memory_space<vmem>>, vector<16xf32>,
      tpu.vector_store %arg9[%parallel_loop3A_43], %parallel_loop3A_40 {strides = array<i32>} : memref<10000xf32, #tpu.memory_space<vmem>>, vector<16xf32>,
    } {sc.loop_unroll_factor = 8 : i64, sc.parallel_access}
    %dma_wait3A = arith.constant 0 : i32
    %dma_wait3A_30 = tpu.memref_slice %arg2[%dma_wait3A, %min3A_21] : memref<2x320000xi32, #tpu.memory_space<hbm>> -> memref<2x10752xi32, #tpu.memory_space<hbm>>
    %dma_wait3A_31 = arith.constant 0 : i32
    %dma_wait3A_32 = tpu.memref_slice %arg2[%dma_wait3A_31, %min3A_21] : memref<2x320000xi32, #tpu.memory_space<hbm>> -> memref<2x10752xi32, #tpu.memory_space<hbm>>
    tpu.wait_dma2 semaphore(%arg10 : memref<!tpu.dma_semaphore, #tpu.memory_space<semaphore_mem>>) src(%dma_wait3A_32 : memref<2x10752xi32, #tpu.memory_space<hbm>>) dst(%arg6 : memref<2x10752xi32, #tpu.memory_space<vmem>>)
    %dma_wait3A_33 = tpu.memref_slice %arg3[%mul3A_2] : memref<320000xf32, #tpu.memory_space<hbm>> -> memref<10000xf32, #tpu.memory_space<hbm>>
    %dma_wait3A_34 = tpu.memref_slice %arg3[%mul3A_2] : memref<320000xf32, #tpu.memory_space<hbm>> -> memref<10000xf32, #tpu.memory_space<hbm>>
    tpu.wait_dma2 semaphore(%arg10 : memref<!tpu.dma_semaphore, #tpu.memory_space<semaphore_mem>>) src(%dma_wait3A_34 : memref<10000xf32, #tpu.memory_space<hbm>>) dst(%arg7 : memref<10000xf32, #tpu.memory_space<vmem>>)
    tpu.wait_dma2 semaphore(%arg10 : memref<!tpu.dma_semaphore, #tpu.memory_space<semaphore_mem>>) src(%arg4 : memref<10000xf32, #tpu.memory_space<hbm>>) dst(%arg8 : memref<10000xf32, #tpu.memory_space<vmem>>)
    %parallel_loop3A_35 = arith.constant 0 : i32
    %parallel_loop3A_36 = arith.constant 625 : i32
    %parallel_loop3A_37 = arith.constant 1 : i32
    scf.for %parallel_loop3A_38 = %parallel_loop3A_35 to %parallel_loop3A_36 step %parallel_loop3A_37  : i32 {
      %parallel_loop3A_39 = arith.constant 16 : i32
      %parallel_loop3A_40 = arith.muli %parallel_loop3A_38, %parallel_loop3A_39 : i32
      %parallel_loop3A_41 = arith.constant 16 : i32
      %parallel_loop3A_42 = arith.muli %parallel_loop3A_38, %parallel_loop3A_41 : i32
      %parallel_loop3A_43 = arith.addi %sub3A_22, %parallel_loop3A_42 : i32
      %parallel_loop3A_44 = arith.constant 1 : i32
      %parallel_loop3A_45 = arith.index_cast %parallel_loop3A_44 : i32 to index
      %parallel_loop3A_46 = arith.index_cast %parallel_loop3A_43 : i32 to index
      %parallel_loop3A_47 = tpu.vector_load %arg6[%parallel_loop3A_45, %parallel_loop3A_46] {strides = array<i32>} : memref<2x10752xi32, #tpu.memory_space<vmem>>, vector<16xi32>,
      %parallel_loop3A_48 = tpu.vector_load_idx %arg8[%parallel_loop3A_47] : memref<10000xf32, #tpu.memory_space<vmem>>[vector<16xi32>], vector<16xf32>,
      %parallel_loop3A_49 = arith.index_cast %parallel_loop3A_40 : i32 to index
      %parallel_loop3A_50 = tpu.vector_load %arg7[%parallel_loop3A_49] {strides = array<i32>} : memref<10000xf32, #tpu.memory_space<vmem>>, vector<16xf32>,
      %parallel_loop3A_51 = arith.mulf %parallel_loop3A_48, %parallel_loop3A_50 : vector<16xf32>
      %parallel_loop3A_52 = arith.constant 0 : i32
      %parallel_loop3A_53 = arith.index_cast %parallel_loop3A_52 : i32 to index
      %parallel_loop3A_54 = arith.index_cast %parallel_loop3A_43 : i32 to index
      %parallel_loop3A_55 = tpu.vector_load %arg6[%parallel_loop3A_53, %parallel_loop3A_54] {strides = array<i32>} : memref<2x10752xi32, #tpu.memory_space<vmem>>, vector<16xi32>,
      tpu.vector_store_idx %arg9[%parallel_loop3A_55], %parallel_loop3A_51 {add = true} : memref<10000xf32, #tpu.memory_space<vmem>>[vector<16xi32>], vector<16xf32>,
    } {sc.loop_unroll_factor = 16 : i64, sc.parallel_access}
    "tpu.region"() ({
      %run_scoped3A = tpu.sem_alloc : memref<!tpu.dma_semaphore, #tpu.memory_space<semaphore_mem>>
      %dma_start3A_38 = arith.constant 0 : i32
      %dma_start3A_39 = tpu.memref_slice %arg5[%add3A, %dma_start3A_38] : memref<32x10000xf32, #tpu.memory_space<hbm>> -> memref<1x10000xf32, #tpu.memory_space<hbm>>
      %dma_start3A_40 = tpu.memref_squeeze %dma_start3A_39 : memref<1x10000xf32, #tpu.memory_space<hbm>> -> memref<10000xf32, #tpu.memory_space<hbm>>
      %dma_start3A_41 = arith.constant 0 : i32
      %dma_start3A_42 = tpu.memref_slice %arg5[%add3A, %dma_start3A_41] : memref<32x10000xf32, #tpu.memory_space<hbm>> -> memref<1x10000xf32, #tpu.memory_space<hbm>>
      %dma_start3A_43 = tpu.memref_squeeze %dma_start3A_42 : memref<1x10000xf32, #tpu.memory_space<hbm>> -> memref<10000xf32, #tpu.memory_space<hbm>>
      tpu.enqueue_dma source(%arg9 : memref<10000xf32, #tpu.memory_space<vmem>>) target(%dma_start3A_43 : memref<10000xf32, #tpu.memory_space<hbm>>) target_semaphore(%run_scoped3A : memref<!tpu.dma_semaphore, #tpu.memory_space<semaphore_mem>>)
      %dma_wait3A_44 = arith.constant 0 : i32
      %dma_wait3A_45 = tpu.memref_slice %arg5[%add3A, %dma_wait3A_44] : memref<32x10000xf32, #tpu.memory_space<hbm>> -> memref<1x10000xf32, #tpu.memory_space<hbm>>
      %dma_wait3A_46 = tpu.memref_squeeze %dma_wait3A_45 : memref<1x10000xf32, #tpu.memory_space<hbm>> -> memref<10000xf32, #tpu.memory_space<hbm>>
      %dma_wait3A_47 = arith.constant 0 : i32
      %dma_wait3A_48 = tpu.memref_slice %arg5[%add3A, %dma_wait3A_47] : memref<32x10000xf32, #tpu.memory_space<hbm>> -> memref<1x10000xf32, #tpu.memory_space<hbm>>
      %dma_wait3A_49 = tpu.memref_squeeze %dma_wait3A_48 : memref<1x10000xf32, #tpu.memory_space<hbm>> -> memref<10000xf32, #tpu.memory_space<hbm>>
      tpu.wait_dma2 semaphore(%run_scoped3A : memref<!tpu.dma_semaphore, #tpu.memory_space<semaphore_mem>>) src(%arg9 : memref<10000xf32, #tpu.memory_space<vmem>>) dst(%dma_wait3A_49 : memref<10000xf32, #tpu.memory_space<hbm>>)
      tpu.yield
    }) : () -> ()
    return
  }
}

module attributes {stable_mosaic.version = 14 : i64} {
  func.func @body(%arg0: memref<32x10000xf32, #tpu.memory_space<vmem>>, %arg1: memref<10000xf32, #tpu.memory_space<vmem>>, %arg2: memref<10000x128xf32, #tpu.memory_space<vmem>>, %arg3: memref<128x128xf32, #tpu.memory_space<vmem>>, %arg4: memref<128xf32, #tpu.memory_space<vmem>>, %arg5: memref<1x128xf32, #tpu.memory_space<vmem>>) attributes {dimension_semantics = [], scalar_prefetch = 0 : i64, scratch_operands = 0 : i64, tpu.core_type = #tpu.core_type<tc>} {
    %get3A = arith.constant 0 : index
    %get3A_0 = arith.constant 0 : index
    %get3A_1 = vector.load %arg0[%get3A, %get3A_0] : memref<32x10000xf32, #tpu.memory_space<vmem>>, vector<32x10000xf32>
    %reduce_sum3A = arith.constant dense<0.000000e+00> : vector<10000xf32>
    %reduce_sum3A_2 = vector.multi_reduction <add>, %get3A_1, %reduce_sum3A [0] : vector<32x10000xf32> to vector<10000xf32>
    %broadcast_in_dim3A = vector.shape_cast %reduce_sum3A_2 : vector<10000xf32> to vector<1x10000xf32>
    %get3A_3 = arith.constant 0 : index
    %get3A_4 = vector.load %arg1[%get3A_3] : memref<10000xf32, #tpu.memory_space<vmem>>, vector<10000xf32>
    %broadcast_in_dim3A_5 = vector.shape_cast %get3A_4 : vector<10000xf32> to vector<1x10000xf32>
    %mul3A = arith.mulf %broadcast_in_dim3A, %broadcast_in_dim3A_5 : vector<1x10000xf32>
    %get3A_6 = arith.constant 0 : index
    %get3A_7 = arith.constant 0 : index
    %get3A_8 = vector.load %arg2[%get3A_6, %get3A_7] : memref<10000x128xf32, #tpu.memory_space<vmem>>, vector<10000x128xf32>
    %dot_general3A = arith.constant dense<0.000000e+00> : vector<1x128xf32>
    %dot_general3A_9 = tpu.matmul %mul3A, %get3A_8, %dot_general3A {dimension_numbers = #tpu.dot_dimension_numbers<[1], [0], [0], [1], [0, 0, 1, 1], [], []>, transpose_lhs_hint = false} : vector<1x10000xf32>, vector<10000x128xf32>, vector<1x128xf32> -> vector<1x128xf32>
    %mul3A_10 = arith.constant 9.99999974E-5 : f32
    %mul3A_11 = vector.broadcast %mul3A_10 : f32 to vector<1x128xf32>
    %mul3A_12 = arith.mulf %dot_general3A_9, %mul3A_11 : vector<1x128xf32>
    %get3A_13 = arith.constant 0 : index
    %get3A_14 = arith.constant 0 : index
    %get3A_15 = vector.load %arg3[%get3A_13, %get3A_14] : memref<128x128xf32, #tpu.memory_space<vmem>>, vector<128x128xf32>
    %dot_general3A_16 = arith.constant dense<0.000000e+00> : vector<1x128xf32>
    %dot_general3A_17 = tpu.matmul %mul3A_12, %get3A_15, %dot_general3A_16 {dimension_numbers = #tpu.dot_dimension_numbers<[1], [1], [0], [0], [0, 0, 1, 0], [], []>, transpose_lhs_hint = false} : vector<1x128xf32>, vector<128x128xf32>, vector<1x128xf32> -> vector<1x128xf32>
    %get3A_18 = arith.constant 0 : index
    %get3A_19 = vector.load %arg4[%get3A_18] : memref<128xf32, #tpu.memory_space<vmem>>, vector<128xf32>
    %broadcast_in_dim3A_20 = vector.shape_cast %get3A_19 : vector<128xf32> to vector<1x128xf32>
    %add3A = arith.addf %dot_general3A_17, %broadcast_in_dim3A_20 : vector<1x128xf32>
    %ge3A = arith.constant 0.000000e+00 : f32
    %ge3A_21 = vector.broadcast %ge3A : f32 to vector<1x128xf32>
    %ge3A_22 = arith.cmpf oge, %add3A, %ge3A_21 : vector<1x128xf32>
    %mul3A_23 = arith.constant 0.00999999977 : f32
    %mul3A_24 = vector.broadcast %mul3A_23 : f32 to vector<1x128xf32>
    %mul3A_25 = arith.mulf %mul3A_24, %add3A : vector<1x128xf32>
    %select_n3A = arith.select %ge3A_22, %add3A, %mul3A_25 : vector<1x128xi1>, vector<1x128xf32>
    %swap3A = arith.constant 0 : index
    %swap3A_26 = arith.constant 0 : index
    %swap3A_27 = vector.load %arg5[%swap3A, %swap3A_26] : memref<1x128xf32, #tpu.memory_space<vmem>>, vector<1x128xf32>
    tpu.vector_store %arg5[%swap3A, %swap3A_26], %select_n3A {strides = array<i32>} : memref<1x128xf32, #tpu.memory_space<vmem>>, vector<1x128xf32>,
    return
  }
}

</mosaic_0001>

<sc_bundles>
// kernel: kernel.4.cloned.1.call-start
scs
__scs_entry_jumppad:
0x0: {  	(pc) =	sbr.rel $0x88, $3  }
0x1: {  	(tag) =	ssettag $0x0;
	lr =	simm.s32 $0x1  }
0x2: {  	[smem:$0x3F9B] =	sst lr;
	_ =	strace $0xD0000000  }
0x3: {  	_ = 	snop  }
0x4: {  	_ = 	snop  }
0x5: {  	_ = 	snop  }
0x6: {  	_ = 	snop  }
0x7: {  	_ = 	snop  }
__scs_overlays_trampoline_lowered:
0x8: {  	[smem:$0x3FAA] =	sst s0  }
0x9: {  	[smem:$0x3FAB] =	sst s1  }
0xa: {  	[smem:$0x3FAC] =	sst s2  }
0xb: {  	[smem:$0x3FAD] =	sst s3  }
0xc: {  	[smem:$0x3FAE] =	sst s4  }
0xd: {  	[smem:$0x3FAF] =	sst s5  }
0xe: {  	[smem:$0x3FB0] =	sst s6  }
0xf: {  	[smem:$0x3FB1] =	sst s7  }
0x10: {  	[smem:$0x3FB2] =	sst s8  }
0x11: {  	[smem:$0x3FB3] =	sst s9;
	s0 =	simm.s32 @!p0 $0x0  }
0x12: {  	s1 =	sld [smem:$0x3F99];
	s0 =	simm.s32 @p0 $0x1  }
0x13: {  	[smem:$0x3FB4] =	sst s0;
	s0 =	simm.s32 @!p1 $0x0  }
0x14: {  	s2 =	sld [smem:$0x3F98];
	s0 =	simm.s32 @p1 $0x1  }
0x15: {  	[smem:$0x3FB5] =	sst s0;
	s0 =	simm.s32 @!p2 $0x0  }
0x16: {  	s3 =	sld [smem:$0x3FDB];
	s0 =	simm.s32 @p2 $0x1  }
0x17: {  	s4 =	simm.s32 $0x1BF5;
	[smem:$0x3FB7] =	sst s0  }
0x18: {  	s0 =	sld [smem:$0x3F9A];
	_ =	swait.ge [sflag:s4], $0x0  }
0x19: {  	s7 =	sld [smem:$0x3F9B]  }
0x1a: {  	s8 =	sadd.s32 $0xFFFFE003, lr  }
0x1b: {  	s9 =	sadd.s32 $0xFFFFFEF7, lr;
	s5 =	simm.s32 $0xFFFFFFFF;
	p2 =	slt.u32 s8, $0xFFFFF086  }
0x1c: {  	p1 =	slt.u32 s9, $0xF7A;
	s5 =	simm.s32 @!p2 $0x0  }
0x1d: {  	s5 =	simm.s32 @p1 $0x1;
	p0 =	seq.s32 s7, s2  }
0x1e: {  	s7 =	smul.u32 @!p0 $0xF7A, s2;
	p2 =	seq.s32 @!p0 s5, $0x0  }
0x1f: {  	s9 =	smul.u32 $0xF7A, s1;
	s8 =	simm.s32 @!p0 $0x1BF5;
	p2 =	por !p2, p0  }
0x20: {  	[sflag:s8] =	ssyncset.s32 @!p0 $0xFFFFF086;
	s6 =	sadd.s32 @!p0 s3, s7;
	s7 =	simm.s32 @!p0 $0x108  }
0x21: {  	s3 =	sadd.s32 s3, s9;
	s6 =	sadd.s32 @!p0 $0x88, s6;
	s7 =	simm.s32 @p2 $0x1082  }
0x22: {  	[simem:s7], [sflag:s8] =	dma.local @!p0 [hbm:s6], $0xF7A  }
0x23: {  	s9 =	sor.u32 $0xD0000000, s2;
	s6 =	simm.s32 $0x108;
	_ =	swait.ge @!p0 [sflag:s8], $0x0  }
0x24: {  	s3 =	sadd.s32 $0x88, s3;
	s6 =	simm.s32 @!p1 $0x1082;
	[sflag:s4] =	ssyncset.s32 $0xFFFFF086  }
0x25: {  	[simem:s6], [sflag:s4] =	dma.local [hbm:s3], $0xF7A  }
0x26: {  	[smem:$0x3F9B] =	sst s1;
	(tag) =	ssettag s2;
	_ =	strace s9  }
0x27: {  	s1 =	sld [smem:$0x3FAB]  }
0x28: {  	s2 =	sld [smem:$0x3FAC]  }
0x29: {  	s4 =	sld [smem:$0x3FAE]  }
0x2a: {  	p0 =	seq.s32 s5, $0x0;
	s5 =	sld [smem:$0x3FAF]  }
0x2b: {  	s6 =	sld [smem:$0x3FB0]  }
0x2c: {  	s7 =	sld [smem:$0x3FB1]  }
0x2d: {  	s3 =	simm.s32 $0x108;
	s8 =	sld [smem:$0x3FB2]  }
0x2e: {  	s3 =	simm.s32 @!p0 $0x1082;
	s9 =	sld [smem:$0x3FB3]  }
0x2f: {  	lr =	sadd.s32 s0, s3;
	s0 =	sld [smem:$0x3FAA]  }
0x30: {  	s3 =	sld [smem:$0x3FAD]  }
0x31: {  	[smem:$0x3FB6] =	sst s10  }
0x32: {  	s10 =	sld [smem:$0x3FB4];
	_ =	sdelay $0x3  }
0x33: {  	p0 =	seq.s32 s10, $0x1;
	s10 =	sld [smem:$0x3FB6];
	_ =	sdelay $0x3  }
0x34: {  	[smem:$0x3FB6] =	sst s10  }
0x35: {  	s10 =	sld [smem:$0x3FB5];
	_ =	sdelay $0x3  }
0x36: {  	p1 =	seq.s32 s10, $0x1;
	s10 =	sld [smem:$0x3FB6];
	_ =	sdelay $0x3  }
0x37: {  	[smem:$0x3FB6] =	sst s10  }
0x38: {  	s10 =	sld [smem:$0x3FB7]  }
0x39: {  	_ = 	snop;
	(pc) =	sbr.ind lr, $3  }
0x3a: {  	_ = 	snop  }
0x3b: {  	_ = 	snop  }
0x3c: {  	p2 =	seq.s32 s10, $0x1;
	s10 =	sld [smem:$0x3FB6]  }
0x3d: {  	_ =	shalt  }
0x3e: {  	_ =	shalt  }
0x3f: {  	_ =	shalt  }
0x40: {  	_ =	shalt  }
0x41: {  	_ =	shalt  }
0x42: {  	_ =	shalt  }
0x43: {  	_ =	shalt  }
0x44: {  	_ =	shalt  }
0x45: {  	_ =	shalt  }
0x46: {  	_ =	shalt  }
0x47: {  	_ =	shalt  }
0x48: {  	_ =	shalt  }
0x49: {  	_ =	shalt  }
0x4a: {  	_ =	shalt  }
0x4b: {  	_ =	shalt  }
0x4c: {  	_ =	shalt  }
0x4d: {  	_ =	shalt  }
0x4e: {  	_ =	shalt  }
0x4f: {  	_ =	shalt  }
0x50: {  	_ =	shalt  }
0x51: {  	_ =	shalt  }
0x52: {  	_ =	shalt  }
0x53: {  	_ =	shalt  }
0x54: {  	_ =	shalt  }
0x55: {  	_ =	shalt  }
0x56: {  	_ =	shalt  }
0x57: {  	_ =	shalt  }
0x58: {  	_ =	shalt  }
0x59: {  	_ =	shalt  }
0x5a: {  	_ =	shalt  }
0x5b: {  	_ =	shalt  }
0x5c: {  	_ =	shalt  }
0x5d: {  	_ =	shalt  }
0x5e: {  	_ =	shalt  }
0x5f: {  	_ =	shalt  }
0x60: {  	_ =	shalt  }
0x61: {  	_ =	shalt  }
0x62: {  	_ =	shalt  }
0x63: {  	_ =	shalt  }
0x64: {  	_ =	shalt  }
0x65: {  	_ =	shalt  }
0x66: {  	_ =	shalt  }
0x67: {  	_ =	shalt  }
0x68: {  	_ =	shalt  }
0x69: {  	_ =	shalt  }
0x6a: {  	_ =	shalt  }
0x6b: {  	_ =	shalt  }
0x6c: {  	_ =	shalt  }
0x6d: {  	_ =	shalt  }
0x6e: {  	_ =	shalt  }
0x6f: {  	_ =	shalt  }
0x70: {  	_ =	shalt  }
0x71: {  	_ =	shalt  }
0x72: {  	_ =	shalt  }
0x73: {  	_ =	shalt  }
0x74: {  	_ =	shalt  }
0x75: {  	_ =	shalt  }
0x76: {  	_ =	shalt  }
0x77: {  	_ =	shalt  }
0x78: {  	_ =	shalt  }
0x79: {  	_ =	shalt  }
0x7a: {  	_ =	shalt  }
0x7b: {  	_ =	shalt  }
0x7c: {  	_ =	shalt  }
0x7d: {  	_ =	shalt  }
0x7e: {  	_ =	shalt  }
0x7f: {  	_ =	shalt  }
0x80: {  	_ =	shalt  }
0x81: {  	_ =	shalt  }
0x82: {  	_ =	shalt  }
0x83: {  	_ =	shalt  }
0x84: {  	_ =	shalt  }
0x85: {  	_ =	shalt  }
0x86: {  	_ =	shalt  }
0x87: {  	_ =	shalt  }
.Lfunc_end0:
.L_simem_size_0:
called_computation_lowered:
.L_overlay_start_0:
0x88: {  	s2 =	sld [smem:$0x3FD9]  }
0x89: {  	s3 =	sld [smem:$0x3FFE];
	_ =	sdelay $0x1  }
0x8a: {  	s1 =	srdreg.scid  }
0x8b: {  	s0 =	sand.u32 $0x1, s1  }
0x8c: {  	s17 =	sshll.u32 s0, $0xA;
	s2 =	sadd.s32 s3, s2  }
0x8d: {  	s2 =	sadd.s32 s2, s17  }
0x8e: {  	[smem:$0x3FC2] =	sst s2  }
0x8f: {  	_ = 	snop  }
0x90: {  	s2 =	sld [smem:$0x3FC8]  }
0x91: {  	s18 =	sld [smem:$0x3FC7]  }
0x92: {  	s4 =	sld [smem:$0x3FC6];
	(tm) =	ssettm $0x1  }
0x93: {  	s5 =	sld [smem:$0x3FFB];
	_ =	sdelay $0x3  }
0x94: {  	_ =	strace s5  }
0x95: {  	s5 =	sld [smem:$0x3FFC];
	_ =	sdelay $0x3  }
0x96: {  	_ =	strace s5  }
0x97: {  	s5 =	sld [smem:$0x3FFD];
	_ =	sdelay $0x3  }
0x98: {  	_ =	strace s5  }
0x99: {  	_ =	strace $0x8FFFFFFF  }
0x9a: {  	s19 =	sld [smem:$0x3FDB];
	_ =	sdelay $0x1  }
0x9b: {  	s6 =	simm.s32 $_scs_section_size  }
0x9c: {  	s7 =	simm.s32 $_size__tile_overlayer_lowered;
	s8 =	simm.s32 $_tile_overlayer_lowered  }
0x9d: {  	s22 =	simm.s32 $0x1BFF;
	s21 =	sshll.u32 s8, $0x1;
	s5 =	sadd.s32 s6, s19  }
0x9e: {  	s9 =	simm.s32 $0x0;
	s20 =	sshll.u32 s7, $0x1;
	s7 =	sadd.s32 s21, s5  }
0x9f: {  	[timem:s9], [sflag:s22] =	dma.local [hbm:s7], s20  }
0xa0: {  	_ =	swait.ge [sflag:s22], s20  }
0xa1: {  	s6 =	ssub.s32 $0x0, s20;
	[sflag:s22] =	ssyncset.done $0x0  }
0xa2: {  	[sflag:s22] =	ssyncadd.s32 s6;
	_ =	sdelay $0x1  }
0xa3: {  	s23 =	simm.s32 $0x1B8B  }
0xa4: {  	_ =	swait.ge [sflag:s23], $0x1  }
0xa5: {  	[sflag:s23] =	ssyncset.done $0x0  }
0xa6: {  	s25 =	simm.s32 $0x1B8E;
	s24 =	sld [smem:$0x3FFE];
	[sflag:s23] =	ssyncadd.s32 $0xFFFFFFFF  }
0xa7: {  	s26 =	simm.s32 $execute0_lowered;
	[smem:$0x3FD2] =	sst s25  }
0xa8: {  	s7 =	sshll.u32 s26, $0x1;
	_ =	strace $0x80000046;
	[dreg:$0x1] =	wrdreg $0xFFFFFFFF  }
0xa9: {  	s28 =	simm.s32 $_size_execute0_lowered;
	s5 =	sadd.s32 s5, s7;
	[dreg:$0x0] =	wrdreg $0x0  }
0xaa: {  	s7 =	sshll.u32 s28, $0x1;
	[dreg:$0x2] =	wrdreg s5  }
0xab: {  	[dreg:$0x3] =	wrdreg s7  }
0xac: {  	[dreg:$0x4] =	wrdreg $0xC0  }
0xad: {  	_ =	task [dreg:s9], $0x5FFFF  }
0xae: {  	[dreg:$0x1] =	wrdreg $0xFFFFFFFF  }
0xaf: {  	[dreg:$0x0] =	wrdreg $0x60  }
0xb0: {  	[dreg:$0x2] =	wrdreg s2  }
0xb1: {  	[dreg:$0x3] =	wrdreg s4  }
0xb2: {  	[dreg:$0x4] =	wrdreg s18  }
0xb3: {  	[dreg:$0x5] =	wrdreg s24  }
0xb4: {  	[dreg:$0x6] =	wrdreg $0x9  }
0xb5: {  	_ =	task.clear_ibuf [dreg:s9], $0x7FFFF;
	_ =	strace $0x90000046  }
0xb6: {  	s29 =	simm.s32 $0x9;
	_ =	strace $0x80000048  }
0xb7: {  	_ =	swait.ge [sflag:s29], $0x1  }
0xb8: {  	[sflag:s29] =	ssyncadd.s32 $0xFFFFFFFF  }
0xb9: {  	_ =	strace $0x90000048  }
0xba: {  	_ =	sfence  }
0xbb: {  	s30 =	sld [smem:$0x0];
	_ =	sdelay $0x2  }
0xbc: {  	s31 =	sshll.u32 s1, $0xD;
	s1 =	sshrl.u32 s1, $0x2  }
0xbd: {  	s3 =	sand.u32 $0x4000, s31;
	s1 =	sadd.s32 s1, s30  }
0xbe: {  	s0 =	sor.u32 s3, s0;
	s1 =	sshll.u32 s1, $0x11  }
0xbf: {  	s0 =	sor.u32 s1, s0  }
0xc0: {  	s0 =	sadd.s32 $0x8F2B, s0  }
0xc1: {  	[sflag:s0] =	ssyncadd.remote.s32 $0x1  }
0xc2: {  	_ =	sfence.sel $0xFFFF  }
0xc3: {  	[dreg:$0x0] =	wrdreg $0xFFFFFFFF;
	(pc) =	sbr.abs _section_cstart, $3  }
0xc4: {  	[dreg:$0x1] =	wrdreg $0xFFFFFFFF  }
0xc5: {  	_ =	task.clear_ibuf [dreg:s9], $0x2FFFF;
	_ =	strace $0x9FFFFFFF  }
0xc6: {  	(tm) =	ssettm $0x7FFFFFFF  }
0xc7: {  	_ =	shalt  }
tec
execute0_lowered:
.L_overlay_start_1:
0x0: {  	(tag) =	ssettag $0x1  }
0x1: {  	s0 =	rddreg [dreg:$0x0];
	s1 =	srdreg.scid  }
0x2: {  	s13 =	stileid.u32;
	s2 =	rddreg [dreg:$0x1]  }
0x3: {  	s5 =	rddreg [dreg:$0x3];
	s17 =	simm.s32 $0x0;
	s21 =	smul.u32 $0x4E20, s13  }
0x4: {  	s1 =	sand.u32 $0x1, s1;
	s16 =	sshrl.u32 s13, $0x2;
	s26 =	smul.u32 $0x9C40, s13  }
0x5: {  	s3 =	sshll.u32 s13, $0x1;
	[smem:$0x7FF] =	sst s17;
	s6 =	smul.u32 $0x13C00, s16  }
0x6: {  	s4 =	sor.u32 s1, s3;
	_ =	strace $0x80000047;
	s11 =	smul.u32 $0x2710, s1  }
0x7: {  	s18 =	ssub.s32 $0x2, s1;
	s1 =	smul.u32 $0x4E20, s1;
	s7 =	sshll.u32 s4, $0x7  }
0x8: {  	s4 =	smul.u32 $0x2710, s4;
	s19 =	sshrl.u32 s18, $0x1;
	s7 =	sand.u32 $0x380, s7  }
0x9: {  	s9 =	ssub.s32 s18, s19;
	s24 =	sadd.s32 s11, s21;
	[dreg:$0x5] =	wrdreg s1  }
0xa: {  	s6 =	sor.u32 s6, s7;
	s8 =	sand.u32 $0x7FE00, s4;
	s10 =	sshrl.u32 s4, $0x3  }
0xb: {  	s14 =	sand.u32 $0x70, s4;
	s25 =	sand.u32 $0xFFE00, s24;
	s29 =	smax.u32 s9, $0x1  }
0xc: {  	s6 =	sshrl.u32 s6, $0x3;
	s20 =	smin.u32 s8, $0x4B800;
	[dreg:$0xf] =	wrdreg s29  }
0xd: {  	s22 =	sadd.s32 s2, s10;
	[dreg:$0x6] =	wrdreg s14;
	s5 =	sadd.s32 s6, s5  }
0xe: {  	s8 =	sshrl.u32 s20, $0x2;
	s12 =	ssub.s32 s4, s20;
	[dreg:$0xc] =	wrdreg s22  }
0xf: {  	s4 =	smin.u32 s25, $0x4B800;
	s0 =	sadd.s32 s0, s8;
	s23 =	sshll.u32 s12, $0x1  }
0x10: {  	s28 =	sadd.s32 $0xE00, s5;
	[dreg:$0xb] =	wrdreg s0;
	s0 =	sand.u32 $0xFFFFFF00, s23  }
0x11: {  	s30 =	sshll.u32 s4, $0x1;
	[dreg:$0xe] =	wrdreg s28;
	s0 =	sor.u32 s14, s0  }
0x12: {  	s31 =	ssub.s32 s24, s4;
	[dreg:$0xd] =	wrdreg s0;
	s0 =	ssub.s32 s26, s30  }
0x13: {  	s2 =	simm.s32 $0x0;
	[dreg:$0x10] =	wrdreg s0;
	s0 =	sadd.s32 $0xF0, s31  }
0x14: {  	v0 =	vimm.f32 $0.0e+00;
	s22 =	simm.s32 $0x7B80;
	s6 =	simm.s32 $0xA300;
	[dreg:$0x11] =	wrdreg s0  }
.LBB2_1:
0x15: {  	[dreg:$0x12] =	wrdreg s2  }
0x16: {  	s1 =	simm.s32 $0x0;
	s0 =	rddreg [dreg:$0xb]  }
0x17: {  	[tilespmem:s1], [sflag:$0x1] =	stream.linear.gather [hbm4b:s0+s1], $0x5400, $0x38;
	[tilespmem:$0xCA80] =	vst v63  }
0x18: {  	s29 =	rddreg [dreg:$0xc];
	s30 =	simm.s32 $0x5400  }
0x19: {  	[tilespmem:s30], [sflag:$0x1] =	stream.linear.gather [hbm4b:s29+s1], $0x2710, $0x38;
	[tilespmem:$0xCA80] =	vst v63  }
0x1a: {  	s31 =	rddreg [dreg:$0x2];
	s0 =	simm.s32 $0xA340  }
0x1b: {  	[tilespmem:s22], [sflag:$0x1] =	stream.linear.gather [hbm4b:s31+s1], $0x2780, $0x38;
	[tilespmem:$0xCA80] =	vst v63  }
0x1c: {  	[tilespmem:s0+$0xFFFFFFC0] =	vst v0  }
0x1d: {  	[tilespmem:s0+$0x30] =	vst v0  }
0x1e: {  	[tilespmem:s0+$0x20] =	vst v0  }
0x1f: {  	[tilespmem:s0+$0x10] =	vst v0  }
0x20: {  	[tilespmem:s0+$0x0] =	vst v0  }
0x21: {  	[tilespmem:s0+$0xFFFFFFF0] =	vst v0  }
0x22: {  	s1 =	simm.s32 $0x0;
	[tilespmem:s0+$0xFFFFFFE0] =	vst v0  }
.LBB2_2:
0x23: {  	s1 =	sadd.s32 $0x8, s1;
	[tilespmem:s0+$0xFFFFFFD0] =	vst v0;
	s0 =	sadd.s32 $0x80, s0  }
0x24: {  	[tilespmem:s0+$0xFFFFFFC0] =	vst v0;
	p0 =	slt.u32 s1, $0x268  }
0x25: {  	[tilespmem:s0+$0x30] =	vst v0  }
.Ltmp0:
0x26: {  	[tilespmem:s0+$0x20] =	vst v0;
	(pc) =	sbr.rel @p0 .LBB2_2-.Ltmp0, $4  }
0x27: {  	[tilespmem:s0+$0x10] =	vst v0  }
0x28: {  	[tilespmem:s0+$0x0] =	vst v0  }
0x29: {  	[tilespmem:s0+$0xFFFFFFF0] =	vst v0  }
0x2a: {  	[tilespmem:s0+$0xFFFFFFE0] =	vst v0  }
0x2b: {  	[tilespmem:s0+$0xFFFFFFD0] =	vst v0  }
0x2c: {  	s2 =	simm.s32 $0x1;
	[tilespmem:$0xCA00] =	vst v0  }
0x2d: {  	_ =	swait.ge [sflag:s2], $0x5400  }
0x2e: {  	[sflag:s2] =	ssyncset.done $0x0  }
0x2f: {  	[sflag:s2] =	ssyncadd.s32 $0xFFFFAC00  }
0x30: {  	_ =	swait.ge [sflag:s2], $0x2710  }
0x31: {  	[sflag:s2] =	ssyncset.done $0x0  }
0x32: {  	[sflag:s2] =	ssyncadd.s32 $0xFFFFD8F0  }
0x33: {  	_ =	swait.ge [sflag:s2], $0x2780  }
0x34: {  	[sflag:s2] =	ssyncset.done $0x0  }
0x35: {  	s20 =	simm.s32 $0x5480;
	[sflag:s2] =	ssyncadd.s32 $0xFFFFD880  }
0x36: {  	v6 =	vld [tilespmem:s20+$0x70]  }
0x37: {  	v13 =	vld [tilespmem:s20+$0xFFFFFF90]  }
0x38: {  	v14 =	vld [tilespmem:s20+$0xFFFFFFA0]  }
0x39: {  	v15 =	vld [tilespmem:s20+$0xFFFFFFB0]  }
0x3a: {  	v16 =	vld [tilespmem:s20+$0xFFFFFFC0]  }
0x3b: {  	v17 =	vld [tilespmem:s20+$0xFFFFFFD0]  }
0x3c: {  	v62 =	vld [tilespmem:s20+$0xFFFFFFE0]  }
0x3d: {  	v63 =	vld [tilespmem:s20+$0xFFFFFFF0]  }
0x3e: {  	s25 =	rddreg [dreg:$0x5];
	v37 =	vld [tilespmem:s20+$0x0]  }
0x3f: {  	s3 =	rddreg [dreg:$0x10];
	v38 =	vld [tilespmem:s20+$0x10]  }
0x40: {  	s21 =	sadd.s32 s3, s25;
	v39 =	vld [tilespmem:s20+$0x20]  }
0x41: {  	s23 =	rddreg [dreg:$0x11];
	s0 =	sadd.s32 $0x1E0, s21;
	v40 =	vld [tilespmem:s20+$0x30]  }
0x42: {  	s1 =	sand.u32 $0x70, s23;
	v41 =	vld [tilespmem:s20+$0x40];
	s0 =	sand.u32 $0xFFFFFF00, s0  }
0x43: {  	s17 =	sadd.s32 $0xFFFFFF40, s23;
	s29 =	sadd.s32 $0x60, s21;
	v43 =	vld [tilespmem:s20+$0x50];
	s0 =	sor.u32 s1, s0  }
0x44: {  	s16 =	sadd.s32 $0xFFFFFF30, s23;
	s17 =	sand.u32 $0x70, s17;
	s2 =	sand.u32 $0xFFFFFF00, s29;
	v1 =	vld [tilespmem:s0+$0x80]  }
0x45: {  	s7 =	sadd.s32 $0xFFFFFF60, s23;
	s28 =	sadd.s32 $0x40, s21;
	s2 =	sor.u32 s17, s2;
	v12 =	vld [tilespmem:s0+$0x0]  }
0x46: {  	s12 =	sadd.s32 $0xA0, s21;
	s16 =	sand.u32 $0x70, s16;
	s1 =	sand.u32 $0xFFFFFF00, s28;
	v20 =	vld [tilespmem:s2+$0x80]  }
0x47: {  	s12 =	sand.u32 $0xFFFFFF00, s12;
	s17 =	sand.u32 $0x70, s7;
	s1 =	sor.u32 s16, s1;
	v2 =	vld [tilespmem:s2+$0x0]  }
0x48: {  	s12 =	sor.u32 s17, s12;
	v19 =	vld [tilespmem:s1+$0x80]  }
0x49: {  	s5 =	sadd.s32 $0xFFFFFF20, s23;
	s26 =	sadd.s32 $0x20, s21;
	v23 =	vld [tilespmem:s12+$0x80]  }
0x4a: {  	s5 =	sand.u32 $0x70, s5;
	s0 =	sand.u32 $0xFFFFFF00, s26;
	v27 =	vld [tilespmem:s1+$0x0]  }
0x4b: {  	s30 =	sadd.s32 $0xFFFFFF50, s23;
	s4 =	sadd.s32 $0x80, s21;
	s0 =	sor.u32 s5, s0;
	v4 =	vld [tilespmem:s12+$0x0]  }
0x4c: {  	s4 =	sand.u32 $0xFFFFFF00, s4;
	s5 =	sand.u32 $0x70, s30;
	v18 =	vld [tilespmem:s0+$0x80]  }
0x4d: {  	s11 =	sadd.s32 $0x100, s21;
	s4 =	sor.u32 s5, s4;
	v22 =	vld [tilespmem:s0+$0x0]  }
0x4e: {  	s1 =	sand.u32 $0xFFFFFF00, s11;
	v21 =	vld [tilespmem:s4+$0x80]  }
0x4f: {  	s8 =	sadd.s32 $0xFFFFFF70, s23;
	s31 =	sadd.s32 $0xC0, s21;
	s1 =	sor.u32 s1, s14;
	v3 =	vld [tilespmem:s4+$0x0]  }
0x50: {  	s16 =	sand.u32 $0xFFFFFF00, s31;
	s5 =	sand.u32 $0x70, s8;
	v26 =	vld [tilespmem:s1+$0x80]  }
0x51: {  	s10 =	sadd.s32 $0xFFFFFF80, s23;
	s9 =	sadd.s32 $0xE0, s21;
	s5 =	sor.u32 s5, s16;
	v8 =	vld [tilespmem:s1+$0x0]  }
0x52: {  	s0 =	sand.u32 $0xFFFFFF00, s9;
	s16 =	sand.u32 $0x70, s10;
	v24 =	vld [tilespmem:s5+$0x80]  }
0x53: {  	s15 =	sadd.s32 $0xFFFFFFA0, s23;
	s13 =	sadd.s32 $0x120, s21;
	s0 =	sor.u32 s16, s0;
	v7 =	vld [tilespmem:s5+$0x0]  }
0x54: {  	s25 =	sadd.s32 $0xFFFFFFD0, s23;
	s2 =	sand.u32 $0xFFFFFF00, s13;
	s4 =	sand.u32 $0x70, s15;
	v25 =	vld [tilespmem:s0+$0x80]  }
0x55: {  	s17 =	sadd.s32 $0xFFFFFFB0, s23;
	s16 =	sadd.s32 $0x140, s21;
	s2 =	sor.u32 s4, s2;
	v10 =	vld [tilespmem:s0+$0x0]  }
0x56: {  	s19 =	sadd.s32 $0x180, s21;
	s4 =	sand.u32 $0x70, s17;
	s12 =	sand.u32 $0xFFFFFF00, s16;
	v28 =	vld [tilespmem:s2+$0x80]  }
0x57: {  	s1 =	sand.u32 $0x70, s25;
	s0 =	sand.u32 $0xFFFFFF00, s19;
	v11 =	vld [tilespmem:s2+$0x0];
	s4 =	sor.u32 s4, s12  }
0x58: {  	s0 =	sor.u32 s1, s0;
	v29 =	vld [tilespmem:s4+$0x80]  }
0x59: {  	v31 =	vld [tilespmem:s0+$0x80]  }
0x5a: {  	s24 =	sadd.s32 $0xFFFFFFC0, s23;
	s18 =	sadd.s32 $0x160, s21;
	v9 =	vld [tilespmem:s4+$0x0]  }
0x5b: {  	s5 =	sand.u32 $0xFFFFFF00, s18;
	s12 =	sand.u32 $0x70, s24;
	v5 =	vld.idx.msk [tilespmem:v1+s22+$0x0], $0xffff  }
0x5c: {  	s5 =	sor.u32 s12, s5;
	v1 =	vld [tilespmem:s20+$0xFFFFFF80]  }
0x5d: {  	v30 =	vld [tilespmem:s5+$0x80]  }
0x5e: {  	v20 =	vld.idx.msk [tilespmem:v20+s22+$0x0], $0xffff  }
0x5f: {  	v19 =	vld.idx.msk [tilespmem:v19+s22+$0x0], $0xffff  }
0x60: {  	v23 =	vld.idx.msk [tilespmem:v23+s22+$0x0], $0xffff  }
0x61: {  	v18 =	vld.idx.msk [tilespmem:v18+s22+$0x0], $0xffff  }
0x62: {  	v21 =	vld.idx.msk [tilespmem:v21+s22+$0x0], $0xffff  }
0x63: {  	v35 =	vld.idx.msk [tilespmem:v26+s22+$0x0], $0xffff  }
0x64: {  	v24 =	vld.idx.msk [tilespmem:v24+s22+$0x0], $0xffff  }
0x65: {  	s29 =	sadd.s32 $0xFFFFFFE0, s23;
	v32 =	vmul.f32 v6, v5;
	v5 =	vld [tilespmem:s5+$0x0]  }
0x66: {  	s28 =	sadd.s32 $0x1C0, s21;
	s26 =	sadd.s32 $0x1A0, s21;
	s31 =	sand.u32 $0xFFFFFF00, s21;
	v6 =	vld [tilespmem:s0+$0x0]  }
0x67: {  	s30 =	sadd.s32 $0xFFFFFFF0, s23;
	s1 =	sand.u32 $0xFFFFFF00, s26;
	s4 =	sand.u32 $0x70, s29;
	v25 =	vld.idx.msk [tilespmem:v25+s22+$0x0], $0xffff  }
0x68: {  	s2 =	sand.u32 $0xFFFFFF00, s28;
	s1 =	sor.u32 s4, s1;
	s0 =	sand.u32 $0x70, s30;
	[tilespmem:v12+s6+$0x0] =	vst.idx.add.f32.msk $0xffff, v32  }
0x69: {  	s0 =	sor.u32 s0, s2;
	s2 =	sor.u32 s31, s14;
	v12 =	vld [tilespmem:s1+$0x80]  }
0x6a: {  	v34 =	vld [tilespmem:s2+$0x80]  }
0x6b: {  	v33 =	vld [tilespmem:s0+$0x80]  }
0x6c: {  	v28 =	vld.idx.msk [tilespmem:v28+s22+$0x0], $0xffff  }
0x6d: {  	v29 =	vld.idx.msk [tilespmem:v29+s22+$0x0], $0xffff  }
0x6e: {  	v31 =	vld.idx.msk [tilespmem:v31+s22+$0x0], $0xffff  }
0x6f: {  	v30 =	vld.idx.msk [tilespmem:v30+s22+$0x0], $0xffff  }
0x70: {  	v18 =	vmul.f32 v13, v18;
	v13 =	vmul.f32 v16, v21;
	v16 =	vld [tilespmem:s20+$0x60]  }
0x71: {  	v36 =	vld.idx.msk [tilespmem:v12+s22+$0x0], $0xffff  }
0x72: {  	v42 =	vmul.f32 v14, v19;
	v26 =	vld.idx.msk [tilespmem:v34+s22+$0x0], $0xffff  }
0x73: {  	v14 =	vmul.f32 v17, v23;
	v23 =	vmul.f32 v37, v35;
	v33 =	vld.idx.msk [tilespmem:v33+s22+$0x0], $0xffff  }
0x74: {  	[tilespmem:v27+s6+$0x0] =	vst.idx.add.f32.msk $0xffff, v42;
	v21 =	vmul.f32 v38, v28;
	v17 =	vmul.f32 v41, v31  }
0x75: {  	[tilespmem:v22+s6+$0x0] =	vst.idx.add.f32.msk $0xffff, v18;
	v19 =	vmul.f32 v40, v30;
	v12 =	vmul.f32 v15, v20  }
0x76: {  	v22 =	vld [tilespmem:s2+$0x0];
	v15 =	vmul.f32 v62, v24;
	v20 =	vmul.f32 v39, v29  }
0x77: {  	v24 =	vld [tilespmem:s0+$0x0];
	v1 =	vmul.f32 v1, v26;
	v26 =	vmul.f32 v63, v25  }
0x78: {  	v25 =	vld [tilespmem:s1+$0x0];
	s1 =	simm.s32 $0x0;
	v18 =	vmul.f32 v43, v36;
	v16 =	vmul.f32 v16, v33  }
.LBB2_4:
0x79: {  	_ =	sdelay $0x2  }
0x7a: {  	[tilespmem:v2+s6+$0x0] =	vst.idx.add.f32.msk $0xffff, v12  }
0x7b: {  	[tilespmem:v3+s6+$0x0] =	vst.idx.add.f32.msk $0xffff, v13  }
0x7c: {  	[tilespmem:v4+s6+$0x0] =	vst.idx.add.f32.msk $0xffff, v14  }
0x7d: {  	[tilespmem:v7+s6+$0x0] =	vst.idx.add.f32.msk $0xffff, v15  }
0x7e: {  	[tilespmem:v10+s6+$0x0] =	vst.idx.add.f32.msk $0xffff, v26  }
0x7f: {  	s0 =	rddreg [dreg:$0x5];
	s1 =	sadd.s32 $0x10, s1;
	s3 =	sadd.s32 $0x200, s3;
	[tilespmem:v8+s6+$0x0] =	vst.idx.add.f32.msk $0xffff, v23  }
0x80: {  	s23 =	sadd.s32 $0x100, s23;
	s21 =	simm.s32 $0xA300;
	[dreg:$0x7] =	wrdreg s1;
	[tilespmem:v11+s6+$0x0] =	vst.idx.add.f32.msk $0xffff, v21  }
0x81: {  	s20 =	sadd.s32 $0x100, s20;
	p0 =	slt.u32 s1, $0x260;
	[dreg:$0x8] =	wrdreg s3;
	[tilespmem:v9+s6+$0x0] =	vst.idx.add.f32.msk $0xffff, v20  }
0x82: {  	s0 =	sadd.s32 s3, s0;
	s5 =	sand.u32 $0x70, s23;
	s8 =	sadd.s32 $0xFFFFFF20, s23;
	[tilespmem:v5+s6+$0x0] =	vst.idx.add.f32.msk $0xffff, v19  }
0x83: {  	s9 =	sadd.s32 $0xFFFFFF30, s23;
	s18 =	sadd.s32 $0xFFFFFF40, s23;
	s7 =	sadd.s32 $0xFFFFFF50, s23;
	[tilespmem:v6+s6+$0x0] =	vst.idx.add.f32.msk $0xffff, v17  }
0x84: {  	s10 =	sadd.s32 $0xFFFFFF60, s23;
	s14 =	sadd.s32 $0xFFFFFF70, s23;
	s19 =	sadd.s32 $0xFFFFFF80, s23;
	[tilespmem:v25+s6+$0x0] =	vst.idx.add.f32.msk $0xffff, v18  }
0x85: {  	s11 =	sadd.s32 $0xFFFFFFA0, s23;
	s13 =	sadd.s32 $0xFFFFFFC0, s23;
	s15 =	sadd.s32 $0xFFFFFFD0, s23;
	[tilespmem:v24+s6+$0x0] =	vst.idx.add.f32.msk $0xffff, v16  }
0x86: {  	s1 =	sadd.s32 $0x20, s0;
	s2 =	sadd.s32 $0x1E0, s0;
	s4 =	sadd.s32 $0x40, s0;
	[tilespmem:v22+s21+$0x0] =	vst.idx.add.f32.msk $0xffff, v1  }
0x87: {  	s12 =	sadd.s32 $0x60, s0;
	s16 =	sadd.s32 $0x80, s0;
	s17 =	sadd.s32 $0xC0, s0;
	v4 =	vld [tilespmem:s20+$0x70]  }
0x88: {  	s24 =	sadd.s32 $0xE0, s0;
	s25 =	sadd.s32 $0x100, s0;
	s2 =	sand.u32 $0xFFFFFF00, s2;
	v5 =	vld [tilespmem:s20+$0xFFFFFF90]  }
0x89: {  	s26 =	sadd.s32 $0x120, s0;
	s28 =	sadd.s32 $0x140, s0;
	s2 =	sor.u32 s5, s2;
	v6 =	vld [tilespmem:s20+$0xFFFFFFA0]  }
0x8a: {  	s29 =	sadd.s32 $0x160, s0;
	s30 =	sadd.s32 $0x180, s0;
	s31 =	sadd.s32 $0x1A0, s0;
	v2 =	vld [tilespmem:s2+$0x80]  }
0x8b: {  	s3 =	sadd.s32 $0x1C0, s0;
	s7 =	sand.u32 $0x70, s7;
	s10 =	sand.u32 $0x70, s10;
	v3 =	vld [tilespmem:s2+$0x0]  }
0x8c: {  	s14 =	sand.u32 $0x70, s14;
	s12 =	sand.u32 $0xFFFFFF00, s12;
	s16 =	sand.u32 $0xFFFFFF00, s16;
	v1 =	vld [tilespmem:s20+$0xFFFFFF80]  }
0x8d: {  	s17 =	sand.u32 $0xFFFFFF00, s17;
	s5 =	sadd.s32 $0xA0, s0;
	s7 =	sor.u32 s7, s16;
	v7 =	vld [tilespmem:s20+$0xFFFFFFB0]  }
0x8e: {  	s16 =	sor.u32 s14, s17;
	s2 =	sand.u32 $0xFFFFFF00, s4;
	s4 =	sand.u32 $0xFFFFFF00, s5;
	v8 =	vld [tilespmem:s20+$0xFFFFFFC0]  }
0x8f: {  	s5 =	sand.u32 $0x70, s8;
	s8 =	sand.u32 $0x70, s9;
	s9 =	sand.u32 $0x70, s18;
	v11 =	vld [tilespmem:s7+$0x80]  }
0x90: {  	s13 =	sand.u32 $0x70, s13;
	s24 =	sand.u32 $0xFFFFFF00, s24;
	v13 =	vld [tilespmem:s16+$0x80];
	s9 =	sor.u32 s9, s12  }
0x91: {  	s25 =	sand.u32 $0xFFFFFF00, s25;
	s18 =	sand.u32 $0x70, s19;
	s12 =	sor.u32 s10, s4;
	v10 =	vld [tilespmem:s9+$0x80]  }
0x92: {  	s26 =	sand.u32 $0xFFFFFF00, s26;
	s14 =	rddreg [dreg:$0x6];
	s17 =	sor.u32 s18, s24;
	v12 =	vld [tilespmem:s12+$0x80]  }
0x93: {  	s6 =	sadd.s32 $0xFFFFFFB0, s23;
	s19 =	sand.u32 $0x70, s11;
	s18 =	sor.u32 s25, s14;
	v14 =	vld [tilespmem:s17+$0x80]  }
0x94: {  	s28 =	sand.u32 $0xFFFFFF00, s28;
	s11 =	sand.u32 $0x70, s6;
	s19 =	sor.u32 s19, s26;
	v15 =	vld [tilespmem:s18+$0x80]  }
0x95: {  	s15 =	sand.u32 $0x70, s15;
	s29 =	sand.u32 $0xFFFFFF00, s29;
	s11 =	sor.u32 s11, s28;
	v16 =	vld [tilespmem:s19+$0x80]  }
0x96: {  	s1 =	sand.u32 $0xFFFFFF00, s1;
	s30 =	sand.u32 $0xFFFFFF00, s30;
	s24 =	sor.u32 s13, s29;
	v17 =	vld [tilespmem:s11+$0x80]  }
0x97: {  	[dreg:$0xa] =	wrdreg s1;
	s21 =	sadd.s32 $0xFFFFFFE0, s23;
	s25 =	sor.u32 s15, s30;
	v18 =	vld [tilespmem:s24+$0x80]  }
0x98: {  	v2 =	vld.idx.msk [tilespmem:v2+s22+$0x0], $0xffff;
	s22 =	sand.u32 $0xFFFFFF00, s0;
	s0 =	sand.u32 $0x70, s21;
	s21 =	rddreg [dreg:$0xa]  }
0x99: {  	s31 =	sand.u32 $0xFFFFFF00, s31;
	v19 =	vld [tilespmem:s25+$0x80];
	s6 =	sor.u32 s5, s21;
	s21 =	sor.u32 s8, s2  }
0x9a: {  	s29 =	sor.u32 s0, s31;
	v9 =	vld [tilespmem:s21+$0x80]  }
0x9b: {  	s31 =	sor.u32 s22, s14;
	v20 =	vld [tilespmem:s29+$0x80]  }
0x9c: {  	s22 =	simm.s32 $0x7B80;
	v22 =	vld [tilespmem:s31+$0x80]  }
0x9d: {  	v10 =	vld.idx.msk [tilespmem:v10+s22+$0x0], $0xffff  }
0x9e: {  	v11 =	vld.idx.msk [tilespmem:v11+s22+$0x0], $0xffff  }
0x9f: {  	s1 =	sadd.s32 $0xFFFFFFF0, s23;
	v23 =	vld.idx.msk [tilespmem:v12+s22+$0x0], $0xffff  }
0xa0: {  	[dreg:$0x9] =	wrdreg s1;
	v24 =	vld.idx.msk [tilespmem:v13+s22+$0x0], $0xffff  }
0xa1: {  	s2 =	rddreg [dreg:$0x9];
	v29 =	vld [tilespmem:s6+$0x0]  }
0xa2: {  	s3 =	sand.u32 $0xFFFFFF00, s3;
	s5 =	sand.u32 $0x70, s2;
	v30 =	vld [tilespmem:s21+$0x0]  }
0xa3: {  	v25 =	vld [tilespmem:s29+$0x0];
	s30 =	sor.u32 s5, s3  }
0xa4: {  	v21 =	vld [tilespmem:s30+$0x80];
	v2 =	vmul.f32 v4, v2  }
0xa5: {  	s1 =	simm.s32 $0xA300;
	v4 =	vld [tilespmem:s20+$0xFFFFFFD0]  }
0xa6: {  	[tilespmem:v3+s1+$0x0] =	vst.idx.add.f32.msk $0xffff, v2  }
0xa7: {  	v2 =	vld [tilespmem:s20+$0xFFFFFFE0]  }
0xa8: {  	v3 =	vld [tilespmem:s6+$0x80]  }
0xa9: {  	v12 =	vmul.f32 v7, v10;
	v7 =	vld.idx.msk [tilespmem:v17+s22+$0x0], $0xffff  }
0xaa: {  	v13 =	vmul.f32 v8, v11;
	v8 =	vld.idx.msk [tilespmem:v19+s22+$0x0], $0xffff  }
0xab: {  	v11 =	vld [tilespmem:s20+$0xFFFFFFF0]  }
0xac: {  	v9 =	vld.idx.msk [tilespmem:v9+s22+$0x0], $0xffff  }
0xad: {  	v17 =	vld [tilespmem:s20+$0x10]  }
0xae: {  	v19 =	vld [tilespmem:s20+$0x30]  }
0xaf: {  	v10 =	vld.idx.msk [tilespmem:v21+s22+$0x0], $0xffff  }
0xb0: {  	v3 =	vld.idx.msk [tilespmem:v3+s22+$0x0], $0xffff  }
0xb1: {  	v28 =	vmul.f32 v6, v9;
	v6 =	vld.idx.msk [tilespmem:v16+s22+$0x0], $0xffff  }
0xb2: {  	v9 =	vld.idx.msk [tilespmem:v20+s22+$0x0], $0xffff  }
0xb3: {  	s6 =	simm.s32 $0xA300;
	v16 =	vld [tilespmem:s20+$0x0]  }
0xb4: {  	[tilespmem:v30+s6+$0x0] =	vst.idx.add.f32.msk $0xffff, v28  }
0xb5: {  	v27 =	vmul.f32 v5, v3;
	v3 =	vld.idx.msk [tilespmem:v14+s22+$0x0], $0xffff  }
0xb6: {  	v5 =	vld.idx.msk [tilespmem:v15+s22+$0x0], $0xffff  }
0xb7: {  	v14 =	vmul.f32 v4, v23;
	v4 =	vld.idx.msk [tilespmem:v18+s22+$0x0], $0xffff  }
0xb8: {  	v15 =	vmul.f32 v2, v24;
	v2 =	vld.idx.msk [tilespmem:v22+s22+$0x0], $0xffff  }
0xb9: {  	v18 =	vld [tilespmem:s20+$0x20]  }
0xba: {  	v21 =	vmul.f32 v17, v6;
	v6 =	vld [tilespmem:s20+$0x60]  }
0xbb: {  	v24 =	vld [tilespmem:s30+$0x0]  }
0xbc: {  	v22 =	vld [tilespmem:s31+$0x0]  }
0xbd: {  	[tilespmem:v29+s6+$0x0] =	vst.idx.add.f32.msk $0xffff, v27  }
0xbe: {  	v26 =	vmul.f32 v11, v3;
	v3 =	vld [tilespmem:s20+$0x40]  }
0xbf: {  	v23 =	vmul.f32 v16, v5;
	v5 =	vld [tilespmem:s20+$0x50]  }
0xc0: {  	v1 =	vmul.f32 v1, v2;
	v2 =	vld [tilespmem:s9+$0x0]  }
0xc1: {  	v19 =	vmul.f32 v19, v4;
	v4 =	vld [tilespmem:s12+$0x0]  }
0xc2: {  	v20 =	vmul.f32 v18, v7;
	v7 =	vld [tilespmem:s16+$0x0]  }
0xc3: {  	v16 =	vmul.f32 v6, v10;
	v10 =	vld [tilespmem:s17+$0x0]  }
0xc4: {  	v11 =	vld [tilespmem:s19+$0x0]  }
.Ltmp1:
0xc5: {  	v6 =	vld [tilespmem:s25+$0x0];
	(pc) =	sbr.rel @p0 .LBB2_4-.Ltmp1, $4  }
0xc6: {  	v17 =	vmul.f32 v3, v8;
	v3 =	vld [tilespmem:s7+$0x0]  }
0xc7: {  	v8 =	vld [tilespmem:s18+$0x0]  }
0xc8: {  	s3 =	rddreg [dreg:$0x8];
	v18 =	vmul.f32 v5, v9;
	v9 =	vld [tilespmem:s11+$0x0]  }
0xc9: {  	s1 =	rddreg [dreg:$0x7];
	v5 =	vld [tilespmem:s24+$0x0]  }
0xca: {  	_ =	sdelay $0x3  }
0xcb: {  	[tilespmem:v2+s6+$0x0] =	vst.idx.add.f32.msk $0xffff, v12  }
0xcc: {  	[tilespmem:v4+s6+$0x0] =	vst.idx.add.f32.msk $0xffff, v14  }
0xcd: {  	[tilespmem:v7+s6+$0x0] =	vst.idx.add.f32.msk $0xffff, v15  }
0xce: {  	[tilespmem:v10+s6+$0x0] =	vst.idx.add.f32.msk $0xffff, v26  }
0xcf: {  	[tilespmem:v11+s6+$0x0] =	vst.idx.add.f32.msk $0xffff, v21  }
0xd0: {  	[tilespmem:v6+s6+$0x0] =	vst.idx.add.f32.msk $0xffff, v17  }
0xd1: {  	[tilespmem:v25+s6+$0x0] =	vst.idx.add.f32.msk $0xffff, v18  }
0xd2: {  	[tilespmem:v24+s6+$0x0] =	vst.idx.add.f32.msk $0xffff, v16  }
0xd3: {  	[tilespmem:v22+s6+$0x0] =	vst.idx.add.f32.msk $0xffff, v1  }
0xd4: {  	[tilespmem:v3+s6+$0x0] =	vst.idx.add.f32.msk $0xffff, v13  }
0xd5: {  	[tilespmem:v8+s6+$0x0] =	vst.idx.add.f32.msk $0xffff, v23  }
0xd6: {  	[tilespmem:v9+s6+$0x0] =	vst.idx.add.f32.msk $0xffff, v20  }
0xd7: {  	[tilespmem:v5+s6+$0x0] =	vst.idx.add.f32.msk $0xffff, v19  }
0xd8: {  	s0 =	rddreg [dreg:$0xd]  }
0xd9: {  	v1 =	vld [tilespmem:s0+$0x4E80];
	_ =	sdelay $0x5  }
0xda: {  	v3 =	vld [tilespmem:$0x7B00]  }
0xdb: {  	v2 =	vld [tilespmem:s0+$0x4E00]  }
0xdc: {  	v1 =	vld.idx.msk [tilespmem:v1+s22+$0x0], $0xffff;
	_ =	sdelay $0x4  }
0xdd: {  	v1 =	vmul.f32 v3, v1  }
0xde: {  	s1 =	simm.s32 $0x80  }
0xdf: {  	s2 =	simm.s32 $0x400;
	s29 =	simm.s32 $0x2;
	s28 =	rddreg [dreg:$0xe];
	[tilespmem:v2+s6+$0x0] =	vst.idx.add.f32.msk $0xffff, v1  }
0xe0: {  	[hbm4b:s28+s1] =	stream.strided.scatter [tilespmem:s6], [sflag:$0x2], $0x2780, s2, s1, $0x38;
	[tilespmem:$0xCA80] =	vst v63  }
0xe1: {  	_ =	swait.ge [sflag:s29], $0x2780  }
0xe2: {  	s30 =	rddreg [dreg:$0x12]  }
0xe3: {  	s31 =	rddreg [dreg:$0xf];
	s2 =	sadd.s32 $0x1, s30  }
0xe4: {  	p0 =	sne.s32 s2, s31  }
.Ltmp2:
0xe5: {  	_ = 	snop;
	(pc) =	sbr.rel @p0 .LBB2_1-.Ltmp2, $3  }
0xe6: {  	_ =	sdelay $0x1  }
0xe7: {  	[sflag:s29] =	ssyncset.done $0x0  }
0xe8: {  	[sflag:s29] =	ssyncadd.s32 $0xFFFFD880  }
0xe9: {  	_ =	sfence.sel $0x180000  }
0xea: {  	[bflag:$0x0] =	sbarrier.arrive $0xFFFF  }
0xeb: {  	_ =	strace $0x90000047  }
0xec: {  	s0 =	stileid.u32;
	[bflag:$0x2] =	sbarrier.arrive $0xFFFF  }
0xed: {  	p0 =	sne.s32 s0, $0x0;
	s0 =	rddreg [dreg:$0x4]  }
0xee: {  	s0 =	sadd.s32 @!p0 $0x100000, s0  }
0xef: {  	[sflag:s0] =	ssyncadd.tile.s32 @!p0 $0x1;
	_ =	shalt  }
.Lfunc_end2:
_tile_overlayer_lowered:
.L_overlay_start_2:
0xf0: {  	(tag) =	ssettag $0x2  }
0xf1: {  	s0 =	rddreg [dreg:$0x0];
	s2 =	stileid.u32  }
0xf2: {  	s1 =	rddreg [dreg:$0x1];
	p0 =	sne.s32 s2, $0x0  }
0xf3: {  	s3 =	rddreg [dreg:$0x2];
	[bflag:$0x3] =	sbarrier.arrive $0xFFFF;
	s2 =	simm.s32 @!p0 $0x1C02  }
0xf4: {  	[timem:s3], [sflag:s2] =	dma.local @!p0 [hbm:s0], s1  }
0xf5: {  	s0 =	simm.s32 @!p0 $0x2  }
0xf6: {  	_ =	swait.ge @!p0 [sflag:s0], s1  }
0xf7: {  	s1 =	ssub.s32 @!p0 $0x0, s1;
	[sflag:s0] =	ssyncset.done @!p0 $0x0  }
0xf8: {  	[sflag:s0] =	ssyncadd.s32 @!p0 s1  }
0xf9: {  	[bflag:$0x3] =	sbarrier.arrive $0xFFFF  }
0xfa: {  	_ =	shalt  }

</sc_bundles>
